<compile_context>
chip_gen: v7x
topology: tpu7x:2x2x1
jax: 0.10.2.dev20260603
libtpu: 0.0.44.dev20260713+nightly
codegen_flags: <defaults>
</compile_context>

<pallas_src>
import functools
import math

import jax
import jax.numpy as jnp
from jax import lax
from jax.experimental import pallas as pl
from jax.experimental.pallas import tpu as pltpu
from jax.experimental.pallas import tpu_sc as plsc

_NUM_TOKEN_ID = 5
_EPS = 1e-12
_NBITS = 16
_BLK = 512
_SC_CHUNK = 64


def _sc_gather(word_emb, ids_flat):
    n = ids_flat.shape[0]
    h = word_emb.shape[1]
    info = plsc.get_sparse_core_info()
    nc, ns = info.num_cores, info.num_subcores
    nw = nc * ns
    bpw = n // nw
    n_chunks = bpw // _SC_CHUNK
    mesh = plsc.VectorSubcoreMesh(core_axis_name="c", subcore_axis_name="s")

    @functools.partial(
        pl.kernel,
        mesh=mesh,
        out_type=jax.ShapeDtypeStruct((n, h), jnp.float32),
        scratch_types=[
            pltpu.VMEM((bpw,), jnp.int32),
            pltpu.VMEM((_SC_CHUNK, h), jnp.float32),
            pltpu.VMEM((_SC_CHUNK, h), jnp.float32),
            pltpu.SemaphoreType.DMA,
            pltpu.SemaphoreType.DMA,
            pltpu.SemaphoreType.DMA,
            pltpu.SemaphoreType.DMA,
        ],
    )
    def k(table_hbm, idx_hbm, out_hbm, idx_v, rows0, rows1, g0, g1, s0, s1):
        wid = lax.axis_index("s") * nc + lax.axis_index("c")
        base = wid * bpw
        pltpu.sync_copy(idx_hbm.at[pl.ds(base, bpw)], idx_v)
        bufs = (rows0, rows1)
        gsems = (g0, g1)
        ssems = (s0, s1)

        def gather(j, b):
            pltpu.make_async_copy(
                table_hbm.at[idx_v.at[pl.ds(j * _SC_CHUNK, _SC_CHUNK)]],
                bufs[b], gsems[b]).start()

        gather(0, 0)
        gather(1, 1)

        def body(t, carry):
            for b in range(2):
                j = 2 * t + b
                pltpu.make_async_copy(
                    table_hbm.at[idx_v.at[pl.ds(j * _SC_CHUNK, _SC_CHUNK)]],
                    bufs[b], gsems[b]).wait()
                dst = out_hbm.at[pl.ds(base + j * _SC_CHUNK, _SC_CHUNK)]
                pltpu.make_async_copy(bufs[b], dst, ssems[b]).start()

                @pl.when(j + 2 < n_chunks)
                def _():
                    pltpu.make_async_copy(bufs[b], dst, ssems[b]).wait()
                    gather(j + 2, b)
            return carry

        lax.fori_loop(0, n_chunks // 2, body, 0)
        for b in range(2):
            j = n_chunks - 2 + b
            pltpu.make_async_copy(
                bufs[b],
                out_hbm.at[pl.ds(base + j * _SC_CHUNK, _SC_CHUNK)],
                ssems[b]).wait()

    return k(word_emb, ids_flat)


def _ln(x, g, b):
    m = jnp.mean(x, axis=-1, keepdims=True)
    d = x - m
    v = jnp.mean(d * d, axis=-1, keepdims=True)
    return d * lax.rsqrt(v + _EPS) * g + b


def _fused_body(tw_ref, posw_hbm, ids_ref, pc_ref,
                w1r_ref, w1bin_ref, b1_ref, w2_hbm, b2_ref,
                nlng_ref, nlnb_ref, gt_hbm, gn_hbm, gb_ref,
                lng_ref, lnb_ref, o_ref,
                acc_ref, posw_v, w2_v, gt_v, gn_v, sem):
    @pl.when(pl.program_id(0) == 0)
    def _():
        pltpu.make_async_copy(posw_hbm, posw_v, sem).start()
        pltpu.make_async_copy(posw_hbm, posw_v, sem).wait()
        pltpu.make_async_copy(w2_hbm, w2_v, sem).start()
        pltpu.make_async_copy(w2_hbm, w2_v, sem).wait()
        pltpu.make_async_copy(gt_hbm, gt_v, sem).start()
        pltpu.make_async_copy(gt_hbm, gt_v, sem).wait()
        pltpu.make_async_copy(gn_hbm, gn_v, sem).start()
        pltpu.make_async_copy(gn_hbm, gn_v, sem).wait()

    ids_row = ids_ref[0]
    text = tw_ref[...] + posw_v[...]
    acc_ref[...] = text
    has_num = jnp.any(ids_row == _NUM_TOKEN_ID)

    @pl.when(has_num)
    def _():
        pc = pc_ref[0]
        blkn = pc.shape[1]
        eye = jnp.asarray(
            lax.broadcasted_iota(jnp.int32, (blkn, blkn), 0)
            == lax.broadcasted_iota(jnp.int32, (blkn, blkn), 1),
            jnp.float32)
        cols = lax.dot_general(eye, pc, (((1,), (1,)), ((), ())),
                               preferred_element_type=jnp.float32)
        binv = cols[:, 0:_NBITS]
        v = cols[:, _NBITS:_NBITS + 1]
        fmt = cols[:, _NBITS + 1:_NBITS + 2]
        idf = cols[:, _NBITS + 2:_NBITS + 3]
        av = jnp.abs(v)
        log_abs = jnp.log(av + 1e-6)
        sign = jnp.sign(v)
        expo = jnp.where(av > 1e-6,
                         jnp.floor(jnp.log(av + 1e-30) * (1.0 / math.log(10.0))),
                         0.0)
        w1r = w1r_ref[...]
        h = (log_abs * w1r[0:1, :]
             + sign * w1r[1:2, :]
             + expo * w1r[2:3, :]
             + jnp.dot(binv, w1bin_ref[...],
                       preferred_element_type=jnp.float32)
             + jnp.where(fmt == 0.0, 1.0, 0.0) * w1r[3:4, :]
             + jnp.where(fmt == 1.0, 1.0, 0.0) * w1r[4:5, :]
             + jnp.where(fmt == 2.0, 1.0, 0.0) * w1r[5:6, :]
             + b1_ref[...])
        h = 0.5 * h * (1.0 + lax.erf(h * (1.0 / math.sqrt(2.0))))
        h2 = jnp.dot(h, w2_v[...], preferred_element_type=jnp.float32) \
            + b2_ref[...]
        num = _ln(h2, nlng_ref[...], nlnb_ref[...])
        text_l = acc_ref[...]
        gate = jax.nn.sigmoid(
            jnp.dot(text_l, gt_v[...], preferred_element_type=jnp.float32)
            + jnp.dot(num, gn_v[...], preferred_element_type=jnp.float32)
            + gb_ref[...])
        fused = gate * num + (1.0 - gate) * text_l
        acc_ref[...] = jnp.where(idf == float(_NUM_TOKEN_ID), fused, text_l)

    o_ref[...] = _ln(acc_ref[...], lng_ref[...], lnb_ref[...])


def _fused_tc(tw, posw, ids3, pcols,
              w1rows, w1bin, b1, w2, b2, nln_g, nln_b, gt, gn, gb, ln_g, ln_b):
    n, h = tw.shape
    inter = w2.shape[0]
    s = posw.shape[0]
    grid = n // _BLK
    ncols = pcols.shape[1]
    full = lambda r, c: pl.BlockSpec((r, c), lambda i: (0, 0))
    blk = lambda c: pl.BlockSpec((_BLK, c), lambda i: (i, 0))
    anyspec = pl.BlockSpec(memory_space=pl.ANY)
    return pl.pallas_call(
        _fused_body,
        grid=(grid,),
        in_specs=[
            blk(h),
            anyspec,
            pl.BlockSpec((1, 1, _BLK), lambda i: (i, 0, 0)),
            pl.BlockSpec((1, ncols, _BLK), lambda i: (i, 0, 0)),
            full(8, inter),
            full(_NBITS, inter),
            full(1, inter),
            anyspec,
            full(1, h),
            full(1, h), full(1, h),
            anyspec, anyspec,
            full(1, h),
            full(1, h), full(1, h),
        ],
        out_specs=blk(h),
        out_shape=jax.ShapeDtypeStruct((n, h), jnp.float32),
        scratch_shapes=[
            pltpu.VMEM((_BLK, h), jnp.float32),
            pltpu.VMEM((s, h), jnp.float32),
            pltpu.VMEM((inter, h), jnp.float32),
            pltpu.VMEM((h, h), jnp.float32),
            pltpu.VMEM((h, h), jnp.float32),
            pltpu.SemaphoreType.DMA,
        ],
    )(tw, posw, ids3, pcols,
      w1rows, w1bin, b1, w2, b2, nln_g, nln_b, gt, gn, gb, ln_g, ln_b)


def kernel(input_ids, numeric_values, numeric_formats, word_emb, pos_emb,
           type_emb, ln_g, ln_b, w1, b1, w2, b2, nln_g, nln_b, gate_w, gate_b):
    b, s = input_ids.shape
    n = b * s
    hid = word_emb.shape[1]
    inter = w1.shape[1]

    ids_flat = input_ids.reshape(n).astype(jnp.int32)
    tw = _sc_gather(word_emb, ids_flat)
    return tw.reshape(b, s, hid)

    grid = n // _BLK
    posw = pos_emb[:s] + type_emb[0][None, :]
    ids3 = ids_flat.reshape(grid, 1, _BLK)
    binf = jax.random.normal(jax.random.key(1), (b, s, _NBITS),
                             dtype=jnp.float32).reshape(n, _NBITS)
    bin_t = binf.reshape(grid, _BLK, _NBITS).swapaxes(1, 2)
    pcols = jnp.concatenate([
        bin_t,
        numeric_values.reshape(grid, 1, _BLK),
        numeric_formats.astype(jnp.float32).reshape(grid, 1, _BLK),
        ids_flat.astype(jnp.float32).reshape(grid, 1, _BLK),
        jnp.zeros((grid, 5, _BLK), jnp.float32),
    ], axis=1)
    w1rows = jnp.concatenate(
        [w1[0:3], w1[3 + _NBITS:], jnp.zeros((2, inter), jnp.float32)], axis=0)
    w1bin = w1[3:3 + _NBITS]
    gt = gate_w[:hid]
    gn = gate_w[hid:]
    row = lambda x: x.reshape(1, -1)

    out = _fused_tc(tw, posw, ids3, pcols,
                    w1rows, w1bin, row(b1), w2, row(b2),
                    row(nln_g), row(nln_b), gt, gn, row(gate_b),
                    row(ln_g), row(ln_b))
    return out.reshape(b, s, hid)

# --- scband reference (transcript-rebuilt; emitter-appended) ---
"""Pipeline reference for scband-blackhole-embeddings-73632919323180 (READ-ONLY COPY).

The authoritative reference and input builder live on the scoring server;
editing this copy changes nothing except your own understanding.
"""

import jax, jax.numpy as jnp
import numpy as np

VOCAB = 50265
HID = 768
MAXPOS = 512
TYPES = 2
B = 64
S = 512
NUMFEAT = 22  # 1 log + 1 sign + 1 exponent + 16 binary + 3 format one-hot
INTER = 384   # int(768 * 0.5)
NBITS = 16
FMT = 3
NUM_TOKEN_ID = 5
EPS = 1e-12


def _layer_norm(x, g, b):
    m = jnp.mean(x, axis=-1, keepdims=True)
    v = jnp.var(x, axis=-1, keepdims=True)
    return (x - m) / jnp.sqrt(v + EPS) * g + b


def setup_inputs(seed: int = 0) -> dict:
    key = jax.random.key(seed)
    ks = jax.random.split(key, 16)
    input_ids = jax.random.randint(ks[0], (B, S), 0, VOCAB)
    numeric_values = jax.random.uniform(ks[1], (B, S), dtype=jnp.float32)
    numeric_formats = jax.random.randint(ks[2], (B, S), 0, FMT)
    word_emb = jax.random.normal(ks[3], (VOCAB, HID), dtype=jnp.float32) * 0.02
    pos_emb = jax.random.normal(ks[4], (MAXPOS, HID), dtype=jnp.float32) * 0.02
    type_emb = jax.random.normal(ks[5], (TYPES, HID), dtype=jnp.float32) * 0.02
    ln_g = jnp.ones((HID,), dtype=jnp.float32)
    ln_b = jnp.zeros((HID,), dtype=jnp.float32)
    w1 = jax.random.normal(ks[6], (NUMFEAT, INTER), dtype=jnp.float32) * 0.02
    b1 = jnp.zeros((INTER,), dtype=jnp.float32)
    w2 = jax.random.normal(ks[7], (INTER, HID), dtype=jnp.float32) * 0.02
    b2 = jnp.zeros((HID,), dtype=jnp.float32)
    nln_g = jnp.ones((HID,), dtype=jnp.float32)
    nln_b = jnp.zeros((HID,), dtype=jnp.float32)
    gate_w = jax.random.normal(ks[8], (2 * HID, HID), dtype=jnp.float32) * 0.02
    gate_b = jnp.zeros((HID,), dtype=jnp.float32)
    return {
        "input_ids": input_ids,
        "numeric_values": numeric_values,
        "numeric_formats": numeric_formats,
        "word_emb": word_emb,
        "pos_emb": pos_emb,
        "type_emb": type_emb,
        "ln_g": ln_g,
        "ln_b": ln_b,
        "w1": w1,
        "b1": b1,
        "w2": w2,
        "b2": b2,
        "nln_g": nln_g,
        "nln_b": nln_b,
        "gate_w": gate_w,
        "gate_b": gate_b,
    }


def reference(input_ids, numeric_values, numeric_formats, word_emb, pos_emb,
              type_emb, ln_g, ln_b, w1, b1, w2, b2, nln_g, nln_b, gate_w, gate_b):
    b, s = input_ids.shape
    # --- text stream: word + position + token_type (token_type_ids default zeros) ---
    text_word = jnp.take(word_emb, input_ids, axis=0)            # gather [B,S,H]
    position_ids = jnp.arange(s)
    text_pos = jnp.take(pos_emb, position_ids, axis=0)[None, :, :]
    text_type = type_emb[0][None, None, :]
    text_embeddings = text_word + text_pos + text_type
    # --- numeric features (computed densely, applied where input_ids == NUM token) ---
    v = numeric_values
    log_abs = jnp.log(jnp.abs(v) + 1e-06)[..., None]
    sign = jnp.sign(v)[..., None]
    exponent = jnp.where(jnp.abs(v) > 1e-06,
                         jnp.floor(jnp.log10(jnp.abs(v) + 1e-30)),
                         0.0)[..., None]
    # pseudo binary features (torch uses randn at runtime; fixed key for determinism)
    binary = jax.random.normal(jax.random.key(1), (b, s, NBITS), dtype=jnp.float32)
    one_hot_fmt = jax.nn.one_hot(numeric_formats, FMT, dtype=jnp.float32)
    feats = jnp.concatenate([log_abs, sign, exponent, binary, one_hot_fmt], axis=-1)
    # numeric projection MLP: Linear -> GELU -> Linear -> LayerNorm
    h = jax.nn.gelu(feats @ w1 + b1, approximate=False)
    h = h @ w2 + b2
    numeric_emb = _layer_norm(h, nln_g, nln_b)
    # gating fusion
    gate_in = jnp.concatenate([text_embeddings, numeric_emb], axis=-1)
    gate = jax.nn.sigmoid(gate_in @ gate_w + gate_b)
    fused = gate * numeric_emb + (1.0 - gate) * text_embeddings
    num_mask = (input_ids == NUM_TOKEN_ID)[..., None]
    embeddings = jnp.where(num_mask, fused, text_embeddings)
    # final LayerNorm (dropout off / eval mode)
    out = _layer_norm(embeddings, ln_g, ln_b)
    return out

if __name__ == "__main__":
    import jax
    _d = setup_inputs()
    print(jax.jit(kernel)(*tuple(_d.values())))

</pallas_src>

<mosaic_0001>
#map = affine_map<(d0, d1) -> (0, 0)>
#map1 = affine_map<(d0, d1) -> (0)>
module attributes {stable_mosaic.version = 14 : i64} {
  func.func @k(%arg0: i32, %arg1: i32, %arg2: memref<50265x768xf32, #tpu.memory_space<hbm>>, %arg3: memref<32768xi32, #tpu.memory_space<hbm>>, %arg4: memref<32768x768xf32, #tpu.memory_space<hbm>>, %arg5: memref<1024xi32, #tpu.memory_space<vmem>>, %arg6: memref<64x768xf32, #tpu.memory_space<vmem>>, %arg7: memref<64x768xf32, #tpu.memory_space<vmem>>, %arg8: memref<!tpu.dma_semaphore, #tpu.memory_space<semaphore_mem>>, %arg9: memref<!tpu.dma_semaphore, #tpu.memory_space<semaphore_mem>>, %arg10: memref<!tpu.dma_semaphore, #tpu.memory_space<semaphore_mem>>, %arg11: memref<!tpu.dma_semaphore, #tpu.memory_space<semaphore_mem>>) attributes {dimension_semantics = [#tpu.dimension_semantics<core_parallel>, #tpu.dimension_semantics<subcore_parallel>], iteration_bounds = array<i64: 2, 16>, scalar_prefetch = 0 : i64, scratch_operands = 7 : i64, tpu.core_type = #tpu.core_type<sc_vector_subcore>, window_params = [{transform_indices = #map}, {transform_indices = #map1}, {transform_indices = #map}]} {
    %mul3A = arith.constant 2 : i32
    %mul3A_0 = arith.muli %arg1, %mul3A : i32
    %add3A = arith.addi %mul3A_0, %arg0 : i32
    %mul3A_1 = arith.constant 1024 : i32
    %mul3A_2 = arith.muli %add3A, %mul3A_1 : i32
    "tpu.region"() ({
      %run_scoped3A = tpu.sem_alloc : memref<!tpu.dma_semaphore, #tpu.memory_space<semaphore_mem>>
      %dma_start3A_28 = tpu.memref_slice %arg3[%mul3A_2] : memref<32768xi32, #tpu.memory_space<hbm>> -> memref<1024xi32, #tpu.memory_space<hbm>>
      %dma_start3A_29 = tpu.memref_slice %arg3[%mul3A_2] : memref<32768xi32, #tpu.memory_space<hbm>> -> memref<1024xi32, #tpu.memory_space<hbm>>
      tpu.enqueue_dma source(%dma_start3A_29 : memref<1024xi32, #tpu.memory_space<hbm>>) target(%arg5 : memref<1024xi32, #tpu.memory_space<vmem>>) target_semaphore(%run_scoped3A : memref<!tpu.dma_semaphore, #tpu.memory_space<semaphore_mem>>)
      %dma_wait3A_30 = tpu.memref_slice %arg3[%mul3A_2] : memref<32768xi32, #tpu.memory_space<hbm>> -> memref<1024xi32, #tpu.memory_space<hbm>>
      %dma_wait3A_31 = tpu.memref_slice %arg3[%mul3A_2] : memref<32768xi32, #tpu.memory_space<hbm>> -> memref<1024xi32, #tpu.memory_space<hbm>>
      tpu.wait_dma2 semaphore(%run_scoped3A : memref<!tpu.dma_semaphore, #tpu.memory_space<semaphore_mem>>) src(%dma_wait3A_31 : memref<1024xi32, #tpu.memory_space<hbm>>) dst(%arg5 : memref<1024xi32, #tpu.memory_space<vmem>>)
      tpu.yield
    }) : () -> ()
    %dma_start3A = arith.constant 0 : i32
    %dma_start3A_3 = tpu.memref_slice %arg5[%dma_start3A] : memref<1024xi32, #tpu.memory_space<vmem>> -> memref<64xi32, #tpu.memory_space<vmem>>
    %dma_start3A_4 = arith.constant 0 : i32
    %dma_start3A_5 = arith.constant 0 : i32
    %dma_start3A_6 = tpu.memref_slice %arg2[%dma_start3A_4, %dma_start3A_5] : memref<50265x768xf32, #tpu.memory_space<hbm>> -> memref<50265x768xf32, #tpu.memory_space<hbm>>
    tpu.enqueue_indirect_dma source(%dma_start3A_6 : memref<50265x768xf32, #tpu.memory_space<hbm>>) target(%arg6 : memref<64x768xf32, #tpu.memory_space<vmem>>) offsets(%dma_start3A_3 : memref<64xi32, #tpu.memory_space<vmem>>) semaphore(%arg8 : memref<!tpu.dma_semaphore, #tpu.memory_space<semaphore_mem>>)
    %dma_start3A_7 = arith.constant 64 : i32
    %dma_start3A_8 = tpu.memref_slice %arg5[%dma_start3A_7] : memref<1024xi32, #tpu.memory_space<vmem>> -> memref<64xi32, #tpu.memory_space<vmem>>
    %dma_start3A_9 = arith.constant 0 : i32
    %dma_start3A_10 = arith.constant 0 : i32
    %dma_start3A_11 = tpu.memref_slice %arg2[%dma_start3A_9, %dma_start3A_10] : memref<50265x768xf32, #tpu.memory_space<hbm>> -> memref<50265x768xf32, #tpu.memory_space<hbm>>
    tpu.enqueue_indirect_dma source(%dma_start3A_11 : memref<50265x768xf32, #tpu.memory_space<hbm>>) target(%arg7 : memref<64x768xf32, #tpu.memory_space<vmem>>) offsets(%dma_start3A_8 : memref<64xi32, #tpu.memory_space<vmem>>) semaphore(%arg9 : memref<!tpu.dma_semaphore, #tpu.memory_space<semaphore_mem>>)
    %scan3A = arith.constant 0 : i32
    %scan3A_12 = arith.constant 0 : i32
    %scan3A_13 = arith.constant 8 : i32
    %scan3A_14 = arith.addi %scan3A_12, %scan3A_13 : i32
    %scan3A_15 = arith.constant 1 : i32
    scf.for %scan3A_28 = %scan3A_12 to %scan3A_14 step %scan3A_15  : i32 {
      %mul3A_29 = arith.constant 2 : i32
      %mul3A_30 = arith.muli %mul3A_29, %scan3A_28 : i32
      %add3A_31 = arith.constant 0 : i32
      %add3A_32 = arith.addi %mul3A_30, %add3A_31 : i32
      %mul3A_33 = arith.constant 64 : i32
      %mul3A_34 = arith.muli %add3A_32, %mul3A_33 : i32
      %dma_wait3A_35 = tpu.memref_slice %arg5[%mul3A_34] : memref<1024xi32, #tpu.memory_space<vmem>> -> memref<64xi32, #tpu.memory_space<vmem>>
      %dma_wait3A_36 = arith.constant 0 : i32
      %dma_wait3A_37 = arith.constant 0 : i32
      %dma_wait3A_38 = tpu.memref_slice %arg2[%dma_wait3A_36, %dma_wait3A_37] : memref<50265x768xf32, #tpu.memory_space<hbm>> -> memref<50265x768xf32, #tpu.memory_space<hbm>>
      tpu.wait_indirect_dma semaphore(%arg8 : memref<!tpu.dma_semaphore, #tpu.memory_space<semaphore_mem>>) src(%dma_wait3A_38 : memref<50265x768xf32, #tpu.memory_space<hbm>>) dst(%arg6 : memref<64x768xf32, #tpu.memory_space<vmem>>)
      %mul3A_39 = arith.constant 64 : i32
      %mul3A_40 = arith.muli %add3A_32, %mul3A_39 : i32
      %add3A_41 = arith.addi %mul3A_2, %mul3A_40 : i32
      %dma_start3A_42 = arith.constant 0 : i32
      %dma_start3A_43 = tpu.memref_slice %arg4[%add3A_41, %dma_start3A_42] : memref<32768x768xf32, #tpu.memory_space<hbm>> -> memref<64x768xf32, #tpu.memory_space<hbm>>
      %dma_start3A_44 = arith.constant 0 : i32
      %dma_start3A_45 = tpu.memref_slice %arg4[%add3A_41, %dma_start3A_44] : memref<32768x768xf32, #tpu.memory_space<hbm>> -> memref<64x768xf32, #tpu.memory_space<hbm>>
      tpu.enqueue_dma source(%arg6 : memref<64x768xf32, #tpu.memory_space<vmem>>) target(%dma_start3A_45 : memref<64x768xf32, #tpu.memory_space<hbm>>) target_semaphore(%arg10 : memref<!tpu.dma_semaphore, #tpu.memory_space<semaphore_mem>>)
      %add3A_46 = arith.constant 2 : i32
      %add3A_47 = arith.addi %add3A_32, %add3A_46 : i32
      %lt3A = arith.constant 16 : i32
      %lt3A_48 = arith.cmpi slt, %add3A_47, %lt3A : i32
      %convert_element_type3A = arith.extui %lt3A_48 : i1 to i32
      %cond3A = arith.constant 0 : i32
      %cond3A_49 = arith.cmpi ne, %convert_element_type3A, %cond3A : i32
      scf.if %cond3A_49 {
        %dma_wait3A_74 = arith.constant 0 : i32
        %dma_wait3A_75 = tpu.memref_slice %arg4[%add3A_41, %dma_wait3A_74] : memref<32768x768xf32, #tpu.memory_space<hbm>> -> memref<64x768xf32, #tpu.memory_space<hbm>>
        %dma_wait3A_76 = arith.constant 0 : i32
        %dma_wait3A_77 = tpu.memref_slice %arg4[%add3A_41, %dma_wait3A_76] : memref<32768x768xf32, #tpu.memory_space<hbm>> -> memref<64x768xf32, #tpu.memory_space<hbm>>
        tpu.wait_dma2 semaphore(%arg10 : memref<!tpu.dma_semaphore, #tpu.memory_space<semaphore_mem>>) src(%arg6 : memref<64x768xf32, #tpu.memory_space<vmem>>) dst(%dma_wait3A_77 : memref<64x768xf32, #tpu.memory_space<hbm>>)
        %add3A_78 = arith.constant 2 : i32
        %add3A_79 = arith.addi %add3A_32, %add3A_78 : i32
        %mul3A_80 = arith.constant 64 : i32
        %mul3A_81 = arith.muli %add3A_79, %mul3A_80 : i32
        %dma_start3A_82 = tpu.memref_slice %arg5[%mul3A_81] : memref<1024xi32, #tpu.memory_space<vmem>> -> memref<64xi32, #tpu.memory_space<vmem>>
        %dma_start3A_83 = arith.constant 0 : i32
        %dma_start3A_84 = arith.constant 0 : i32
        %dma_start3A_85 = tpu.memref_slice %arg2[%dma_start3A_83, %dma_start3A_84] : memref<50265x768xf32, #tpu.memory_space<hbm>> -> memref<50265x768xf32, #tpu.memory_space<hbm>>
        tpu.enqueue_indirect_dma source(%dma_start3A_85 : memref<50265x768xf32, #tpu.memory_space<hbm>>) target(%arg6 : memref<64x768xf32, #tpu.memory_space<vmem>>) offsets(%dma_start3A_82 : memref<64xi32, #tpu.memory_space<vmem>>) semaphore(%arg8 : memref<!tpu.dma_semaphore, #tpu.memory_space<semaphore_mem>>)
      } else {
      }
      %mul3A_50 = arith.constant 2 : i32
      %mul3A_51 = arith.muli %mul3A_50, %scan3A_28 : i32
      %add3A_52 = arith.constant 1 : i32
      %add3A_53 = arith.addi %mul3A_51, %add3A_52 : i32
      %mul3A_54 = arith.constant 64 : i32
      %mul3A_55 = arith.muli %add3A_53, %mul3A_54 : i32
      %dma_wait3A_56 = tpu.memref_slice %arg5[%mul3A_55] : memref<1024xi32, #tpu.memory_space<vmem>> -> memref<64xi32, #tpu.memory_space<vmem>>
      %dma_wait3A_57 = arith.constant 0 : i32
      %dma_wait3A_58 = arith.constant 0 : i32
      %dma_wait3A_59 = tpu.memref_slice %arg2[%dma_wait3A_57, %dma_wait3A_58] : memref<50265x768xf32, #tpu.memory_space<hbm>> -> memref<50265x768xf32, #tpu.memory_space<hbm>>
      tpu.wait_indirect_dma semaphore(%arg9 : memref<!tpu.dma_semaphore, #tpu.memory_space<semaphore_mem>>) src(%dma_wait3A_59 : memref<50265x768xf32, #tpu.memory_space<hbm>>) dst(%arg7 : memref<64x768xf32, #tpu.memory_space<vmem>>)
      %mul3A_60 = arith.constant 64 : i32
      %mul3A_61 = arith.muli %add3A_53, %mul3A_60 : i32
      %add3A_62 = arith.addi %mul3A_2, %mul3A_61 : i32
      %dma_start3A_63 = arith.constant 0 : i32
      %dma_start3A_64 = tpu.memref_slice %arg4[%add3A_62, %dma_start3A_63] : memref<32768x768xf32, #tpu.memory_space<hbm>> -> memref<64x768xf32, #tpu.memory_space<hbm>>
      %dma_start3A_65 = arith.constant 0 : i32
      %dma_start3A_66 = tpu.memref_slice %arg4[%add3A_62, %dma_start3A_65] : memref<32768x768xf32, #tpu.memory_space<hbm>> -> memref<64x768xf32, #tpu.memory_space<hbm>>
      tpu.enqueue_dma source(%arg7 : memref<64x768xf32, #tpu.memory_space<vmem>>) target(%dma_start3A_66 : memref<64x768xf32, #tpu.memory_space<hbm>>) target_semaphore(%arg11 : memref<!tpu.dma_semaphore, #tpu.memory_space<semaphore_mem>>)
      %add3A_67 = arith.constant 2 : i32
      %add3A_68 = arith.addi %add3A_53, %add3A_67 : i32
      %lt3A_69 = arith.constant 16 : i32
      %lt3A_70 = arith.cmpi slt, %add3A_68, %lt3A_69 : i32
      %convert_element_type3A_71 = arith.extui %lt3A_70 : i1 to i32
      %cond3A_72 = arith.constant 0 : i32
      %cond3A_73 = arith.cmpi ne, %convert_element_type3A_71, %cond3A_72 : i32
      scf.if %cond3A_73 {
        %dma_wait3A_74 = arith.constant 0 : i32
        %dma_wait3A_75 = tpu.memref_slice %arg4[%add3A_62, %dma_wait3A_74] : memref<32768x768xf32, #tpu.memory_space<hbm>> -> memref<64x768xf32, #tpu.memory_space<hbm>>
        %dma_wait3A_76 = arith.constant 0 : i32
        %dma_wait3A_77 = tpu.memref_slice %arg4[%add3A_62, %dma_wait3A_76] : memref<32768x768xf32, #tpu.memory_space<hbm>> -> memref<64x768xf32, #tpu.memory_space<hbm>>
        tpu.wait_dma2 semaphore(%arg11 : memref<!tpu.dma_semaphore, #tpu.memory_space<semaphore_mem>>) src(%arg7 : memref<64x768xf32, #tpu.memory_space<vmem>>) dst(%dma_wait3A_77 : memref<64x768xf32, #tpu.memory_space<hbm>>)
        %add3A_78 = arith.constant 2 : i32
        %add3A_79 = arith.addi %add3A_53, %add3A_78 : i32
        %mul3A_80 = arith.constant 64 : i32
        %mul3A_81 = arith.muli %add3A_79, %mul3A_80 : i32
        %dma_start3A_82 = tpu.memref_slice %arg5[%mul3A_81] : memref<1024xi32, #tpu.memory_space<vmem>> -> memref<64xi32, #tpu.memory_space<vmem>>
        %dma_start3A_83 = arith.constant 0 : i32
        %dma_start3A_84 = arith.constant 0 : i32
        %dma_start3A_85 = tpu.memref_slice %arg2[%dma_start3A_83, %dma_start3A_84] : memref<50265x768xf32, #tpu.memory_space<hbm>> -> memref<50265x768xf32, #tpu.memory_space<hbm>>
        tpu.enqueue_indirect_dma source(%dma_start3A_85 : memref<50265x768xf32, #tpu.memory_space<hbm>>) target(%arg7 : memref<64x768xf32, #tpu.memory_space<vmem>>) offsets(%dma_start3A_82 : memref<64xi32, #tpu.memory_space<vmem>>) semaphore(%arg9 : memref<!tpu.dma_semaphore, #tpu.memory_space<semaphore_mem>>)
      } else {
      }
    }
    %scan3A_16 = arith.constant 8 : i32
    %add3A_17 = arith.constant 896 : i32
    %add3A_18 = arith.addi %mul3A_2, %add3A_17 : i32
    %dma_wait3A = arith.constant 0 : i32
    %dma_wait3A_19 = tpu.memref_slice %arg4[%add3A_18, %dma_wait3A] : memref<32768x768xf32, #tpu.memory_space<hbm>> -> memref<64x768xf32, #tpu.memory_space<hbm>>
    %dma_wait3A_20 = arith.constant 0 : i32
    %dma_wait3A_21 = tpu.memref_slice %arg4[%add3A_18, %dma_wait3A_20] : memref<32768x768xf32, #tpu.memory_space<hbm>> -> memref<64x768xf32, #tpu.memory_space<hbm>>
    tpu.wait_dma2 semaphore(%arg10 : memref<!tpu.dma_semaphore, #tpu.memory_space<semaphore_mem>>) src(%arg6 : memref<64x768xf32, #tpu.memory_space<vmem>>) dst(%dma_wait3A_21 : memref<64x768xf32, #tpu.memory_space<hbm>>)
    %add3A_22 = arith.constant 960 : i32
    %add3A_23 = arith.addi %mul3A_2, %add3A_22 : i32
    %dma_wait3A_24 = arith.constant 0 : i32
    %dma_wait3A_25 = tpu.memref_slice %arg4[%add3A_23, %dma_wait3A_24] : memref<32768x768xf32, #tpu.memory_space<hbm>> -> memref<64x768xf32, #tpu.memory_space<hbm>>
    %dma_wait3A_26 = arith.constant 0 : i32
    %dma_wait3A_27 = tpu.memref_slice %arg4[%add3A_23, %dma_wait3A_26] : memref<32768x768xf32, #tpu.memory_space<hbm>> -> memref<64x768xf32, #tpu.memory_space<hbm>>
    tpu.wait_dma2 semaphore(%arg11 : memref<!tpu.dma_semaphore, #tpu.memory_space<semaphore_mem>>) src(%arg7 : memref<64x768xf32, #tpu.memory_space<vmem>>) dst(%dma_wait3A_27 : memref<64x768xf32, #tpu.memory_space<hbm>>)
    return
  }
}

</mosaic_0001>

<sc_bundles>
// kernel: kernel.3.cloned.1.call-start
scs
__scs_entry_jumppad:
0x0: {  	(pc) =	sbr.rel $0x88, $3  }
0x1: {  	(tag) =	ssettag $0x0;
	lr =	simm.s32 $0x1  }
0x2: {  	[smem:$0x3F9F] =	sst lr;
	_ =	strace $0xD0000000  }
0x3: {  	_ = 	snop  }
0x4: {  	_ = 	snop  }
0x5: {  	_ = 	snop  }
0x6: {  	_ = 	snop  }
0x7: {  	_ = 	snop  }
__scs_overlays_trampoline_lowered:
0x8: {  	[smem:$0x3FAE] =	sst s0  }
0x9: {  	[smem:$0x3FAF] =	sst s1  }
0xa: {  	[smem:$0x3FB0] =	sst s2  }
0xb: {  	[smem:$0x3FB1] =	sst s3  }
0xc: {  	[smem:$0x3FB2] =	sst s4  }
0xd: {  	[smem:$0x3FB3] =	sst s5  }
0xe: {  	[smem:$0x3FB4] =	sst s6  }
0xf: {  	[smem:$0x3FB5] =	sst s7  }
0x10: {  	[smem:$0x3FB6] =	sst s8  }
0x11: {  	[smem:$0x3FB7] =	sst s9;
	s0 =	simm.s32 @!p0 $0x0  }
0x12: {  	s1 =	sld [smem:$0x3F9D];
	s0 =	simm.s32 @p0 $0x1  }
0x13: {  	[smem:$0x3FB8] =	sst s0;
	s0 =	simm.s32 @!p1 $0x0  }
0x14: {  	s2 =	sld [smem:$0x3F9C];
	s0 =	simm.s32 @p1 $0x1  }
0x15: {  	[smem:$0x3FB9] =	sst s0;
	s0 =	simm.s32 @!p2 $0x0  }
0x16: {  	s3 =	sld [smem:$0x3FDB];
	s0 =	simm.s32 @p2 $0x1  }
0x17: {  	s4 =	simm.s32 $0x1BF5;
	[smem:$0x3FBB] =	sst s0  }
0x18: {  	s0 =	sld [smem:$0x3F9E];
	_ =	swait.ge [sflag:s4], $0x0  }
0x19: {  	s7 =	sld [smem:$0x3F9F]  }
0x1a: {  	s8 =	sadd.s32 $0xFFFFE003, lr  }
0x1b: {  	s9 =	sadd.s32 $0xFFFFFEF7, lr;
	s5 =	simm.s32 $0xFFFFFFFF;
	p2 =	slt.u32 s8, $0xFFFFF086  }
0x1c: {  	p1 =	slt.u32 s9, $0xF7A;
	s5 =	simm.s32 @!p2 $0x0  }
0x1d: {  	s5 =	simm.s32 @p1 $0x1;
	p0 =	seq.s32 s7, s2  }
0x1e: {  	s7 =	smul.u32 @!p0 $0xF7A, s2;
	p2 =	seq.s32 @!p0 s5, $0x0  }
0x1f: {  	s9 =	smul.u32 $0xF7A, s1;
	s8 =	simm.s32 @!p0 $0x1BF5;
	p2 =	por !p2, p0  }
0x20: {  	[sflag:s8] =	ssyncset.s32 @!p0 $0xFFFFF086;
	s6 =	sadd.s32 @!p0 s3, s7;
	s7 =	simm.s32 @!p0 $0x108  }
0x21: {  	s3 =	sadd.s32 s3, s9;
	s6 =	sadd.s32 @!p0 $0x88, s6;
	s7 =	simm.s32 @p2 $0x1082  }
0x22: {  	[simem:s7], [sflag:s8] =	dma.local @!p0 [hbm:s6], $0xF7A  }
0x23: {  	s9 =	sor.u32 $0xD0000000, s2;
	s6 =	simm.s32 $0x108;
	_ =	swait.ge @!p0 [sflag:s8], $0x0  }
0x24: {  	s3 =	sadd.s32 $0x88, s3;
	s6 =	simm.s32 @!p1 $0x1082;
	[sflag:s4] =	ssyncset.s32 $0xFFFFF086  }
0x25: {  	[simem:s6], [sflag:s4] =	dma.local [hbm:s3], $0xF7A  }
0x26: {  	[smem:$0x3F9F] =	sst s1;
	(tag) =	ssettag s2;
	_ =	strace s9  }
0x27: {  	s1 =	sld [smem:$0x3FAF]  }
0x28: {  	s2 =	sld [smem:$0x3FB0]  }
0x29: {  	s4 =	sld [smem:$0x3FB2]  }
0x2a: {  	p0 =	seq.s32 s5, $0x0;
	s5 =	sld [smem:$0x3FB3]  }
0x2b: {  	s6 =	sld [smem:$0x3FB4]  }
0x2c: {  	s7 =	sld [smem:$0x3FB5]  }
0x2d: {  	s3 =	simm.s32 $0x108;
	s8 =	sld [smem:$0x3FB6]  }
0x2e: {  	s3 =	simm.s32 @!p0 $0x1082;
	s9 =	sld [smem:$0x3FB7]  }
0x2f: {  	lr =	sadd.s32 s0, s3;
	s0 =	sld [smem:$0x3FAE]  }
0x30: {  	s3 =	sld [smem:$0x3FB1]  }
0x31: {  	[smem:$0x3FBA] =	sst s10  }
0x32: {  	s10 =	sld [smem:$0x3FB8];
	_ =	sdelay $0x3  }
0x33: {  	p0 =	seq.s32 s10, $0x1;
	s10 =	sld [smem:$0x3FBA];
	_ =	sdelay $0x3  }
0x34: {  	[smem:$0x3FBA] =	sst s10  }
0x35: {  	s10 =	sld [smem:$0x3FB9];
	_ =	sdelay $0x3  }
0x36: {  	p1 =	seq.s32 s10, $0x1;
	s10 =	sld [smem:$0x3FBA];
	_ =	sdelay $0x3  }
0x37: {  	[smem:$0x3FBA] =	sst s10  }
0x38: {  	s10 =	sld [smem:$0x3FBB]  }
0x39: {  	_ = 	snop;
	(pc) =	sbr.ind lr, $3  }
0x3a: {  	_ = 	snop  }
0x3b: {  	_ = 	snop  }
0x3c: {  	p2 =	seq.s32 s10, $0x1;
	s10 =	sld [smem:$0x3FBA]  }
0x3d: {  	_ =	shalt  }
0x3e: {  	_ =	shalt  }
0x3f: {  	_ =	shalt  }
0x40: {  	_ =	shalt  }
0x41: {  	_ =	shalt  }
0x42: {  	_ =	shalt  }
0x43: {  	_ =	shalt  }
0x44: {  	_ =	shalt  }
0x45: {  	_ =	shalt  }
0x46: {  	_ =	shalt  }
0x47: {  	_ =	shalt  }
0x48: {  	_ =	shalt  }
0x49: {  	_ =	shalt  }
0x4a: {  	_ =	shalt  }
0x4b: {  	_ =	shalt  }
0x4c: {  	_ =	shalt  }
0x4d: {  	_ =	shalt  }
0x4e: {  	_ =	shalt  }
0x4f: {  	_ =	shalt  }
0x50: {  	_ =	shalt  }
0x51: {  	_ =	shalt  }
0x52: {  	_ =	shalt  }
0x53: {  	_ =	shalt  }
0x54: {  	_ =	shalt  }
0x55: {  	_ =	shalt  }
0x56: {  	_ =	shalt  }
0x57: {  	_ =	shalt  }
0x58: {  	_ =	shalt  }
0x59: {  	_ =	shalt  }
0x5a: {  	_ =	shalt  }
0x5b: {  	_ =	shalt  }
0x5c: {  	_ =	shalt  }
0x5d: {  	_ =	shalt  }
0x5e: {  	_ =	shalt  }
0x5f: {  	_ =	shalt  }
0x60: {  	_ =	shalt  }
0x61: {  	_ =	shalt  }
0x62: {  	_ =	shalt  }
0x63: {  	_ =	shalt  }
0x64: {  	_ =	shalt  }
0x65: {  	_ =	shalt  }
0x66: {  	_ =	shalt  }
0x67: {  	_ =	shalt  }
0x68: {  	_ =	shalt  }
0x69: {  	_ =	shalt  }
0x6a: {  	_ =	shalt  }
0x6b: {  	_ =	shalt  }
0x6c: {  	_ =	shalt  }
0x6d: {  	_ =	shalt  }
0x6e: {  	_ =	shalt  }
0x6f: {  	_ =	shalt  }
0x70: {  	_ =	shalt  }
0x71: {  	_ =	shalt  }
0x72: {  	_ =	shalt  }
0x73: {  	_ =	shalt  }
0x74: {  	_ =	shalt  }
0x75: {  	_ =	shalt  }
0x76: {  	_ =	shalt  }
0x77: {  	_ =	shalt  }
0x78: {  	_ =	shalt  }
0x79: {  	_ =	shalt  }
0x7a: {  	_ =	shalt  }
0x7b: {  	_ =	shalt  }
0x7c: {  	_ =	shalt  }
0x7d: {  	_ =	shalt  }
0x7e: {  	_ =	shalt  }
0x7f: {  	_ =	shalt  }
0x80: {  	_ =	shalt  }
0x81: {  	_ =	shalt  }
0x82: {  	_ =	shalt  }
0x83: {  	_ =	shalt  }
0x84: {  	_ =	shalt  }
0x85: {  	_ =	shalt  }
0x86: {  	_ =	shalt  }
0x87: {  	_ =	shalt  }
.Lfunc_end0:
.L_simem_size_0:
called_computation_lowered:
.L_overlay_start_0:
0x88: {  	s2 =	sld [smem:$0x3FD9]  }
0x89: {  	s3 =	sld [smem:$0x3FFE];
	_ =	sdelay $0x1  }
0x8a: {  	s1 =	srdreg.scid  }
0x8b: {  	s0 =	sand.u32 $0x1, s1  }
0x8c: {  	s17 =	sshll.u32 s0, $0xA;
	s2 =	sadd.s32 s3, s2  }
0x8d: {  	s2 =	sadd.s32 s2, s17  }
0x8e: {  	[smem:$0x3FC6] =	sst s2  }
0x8f: {  	_ = 	snop  }
0x90: {  	s2 =	sld [smem:$0x3FC8]  }
0x91: {  	s18 =	sld [smem:$0x3FD0];
	(tm) =	ssettm $0x1  }
0x92: {  	s4 =	sld [smem:$0x3FFB];
	_ =	sdelay $0x3  }
0x93: {  	_ =	strace s4  }
0x94: {  	s4 =	sld [smem:$0x3FFC];
	_ =	sdelay $0x3  }
0x95: {  	_ =	strace s4  }
0x96: {  	s4 =	sld [smem:$0x3FFD];
	_ =	sdelay $0x3  }
0x97: {  	_ =	strace s4  }
0x98: {  	_ =	strace $0x8FFFFFFF  }
0x99: {  	s19 =	sld [smem:$0x3FDB];
	_ =	sdelay $0x1  }
0x9a: {  	s5 =	simm.s32 $_scs_section_size  }
0x9b: {  	s6 =	simm.s32 $_size__tile_overlayer_lowered;
	s7 =	simm.s32 $_tile_overlayer_lowered  }
0x9c: {  	s22 =	simm.s32 $0x1BFF;
	s21 =	sshll.u32 s7, $0x1;
	s4 =	sadd.s32 s5, s19  }
0x9d: {  	s8 =	simm.s32 $0x0;
	s20 =	sshll.u32 s6, $0x1;
	s6 =	sadd.s32 s21, s4  }
0x9e: {  	[timem:s8], [sflag:s22] =	dma.local [hbm:s6], s20  }
0x9f: {  	_ =	swait.ge [sflag:s22], s20  }
0xa0: {  	s5 =	ssub.s32 $0x0, s20;
	[sflag:s22] =	ssyncset.done $0x0  }
0xa1: {  	[sflag:s22] =	ssyncadd.s32 s5;
	_ =	sdelay $0x1  }
0xa2: {  	s23 =	simm.s32 $0x1B8B  }
0xa3: {  	_ =	swait.ge [sflag:s23], $0x1  }
0xa4: {  	[sflag:s23] =	ssyncset.done $0x0  }
0xa5: {  	s25 =	simm.s32 $0x1B8E;
	s24 =	sld [smem:$0x3FFE];
	[sflag:s23] =	ssyncadd.s32 $0xFFFFFFFF  }
0xa6: {  	s26 =	simm.s32 $execute0_lowered;
	[smem:$0x3FD2] =	sst s25  }
0xa7: {  	s6 =	sshll.u32 s26, $0x1;
	_ =	strace $0x80000046;
	[dreg:$0x1] =	wrdreg $0xFFFFFFFF  }
0xa8: {  	s28 =	simm.s32 $_size_execute0_lowered;
	s4 =	sadd.s32 s4, s6;
	[dreg:$0x0] =	wrdreg $0x0  }
0xa9: {  	s6 =	sshll.u32 s28, $0x1;
	[dreg:$0x2] =	wrdreg s4  }
0xaa: {  	[dreg:$0x3] =	wrdreg s6  }
0xab: {  	[dreg:$0x4] =	wrdreg $0xC0  }
0xac: {  	_ =	task [dreg:s8], $0x5FFFF  }
0xad: {  	[dreg:$0x1] =	wrdreg $0xFFFFFFFF  }
0xae: {  	[dreg:$0x0] =	wrdreg $0x60  }
0xaf: {  	[dreg:$0x2] =	wrdreg s2  }
0xb0: {  	[dreg:$0x3] =	wrdreg s24  }
0xb1: {  	[dreg:$0x4] =	wrdreg s18  }
0xb2: {  	[dreg:$0x5] =	wrdreg $0x9  }
0xb3: {  	_ =	task.clear_ibuf [dreg:s8], $0x6FFFF;
	_ =	strace $0x90000046  }
0xb4: {  	s29 =	simm.s32 $0x9;
	_ =	strace $0x80000048  }
0xb5: {  	_ =	swait.ge [sflag:s29], $0x1  }
0xb6: {  	[sflag:s29] =	ssyncadd.s32 $0xFFFFFFFF  }
0xb7: {  	_ =	strace $0x90000048  }
0xb8: {  	_ =	sfence  }
0xb9: {  	s30 =	sld [smem:$0x0];
	_ =	sdelay $0x2  }
0xba: {  	s31 =	sshll.u32 s1, $0xD;
	s1 =	sshrl.u32 s1, $0x2  }
0xbb: {  	s3 =	sand.u32 $0x4000, s31;
	s1 =	sadd.s32 s1, s30  }
0xbc: {  	s0 =	sor.u32 s3, s0;
	s1 =	sshll.u32 s1, $0x11  }
0xbd: {  	s0 =	sor.u32 s1, s0  }
0xbe: {  	s0 =	sadd.s32 $0x8F2B, s0  }
0xbf: {  	[sflag:s0] =	ssyncadd.remote.s32 $0x1  }
0xc0: {  	_ =	sfence.sel $0xFFFF  }
0xc1: {  	[dreg:$0x0] =	wrdreg $0xFFFFFFFF;
	(pc) =	sbr.abs _section_cstart, $3  }
0xc2: {  	[dreg:$0x1] =	wrdreg $0xFFFFFFFF  }
0xc3: {  	_ =	task.clear_ibuf [dreg:s8], $0x2FFFF;
	_ =	strace $0x9FFFFFFF  }
0xc4: {  	(tm) =	ssettm $0x7FFFFFFF  }
0xc5: {  	_ =	shalt  }
tec
execute0_lowered:
.L_overlay_start_1:
0x0: {  	(tag) =	ssettag $0x1  }
0x1: {  	s1 =	rddreg [dreg:$0x0]  }
0x2: {  	s0 =	rddreg [dreg:$0x1]  }
0x3: {  	s2 =	rddreg [dreg:$0x2];
	s3 =	srdreg.scid  }
0x4: {  	s4 =	stileid.u32;
	s13 =	simm.s32 $0x400;
	s22 =	simm.s32 $0xC00  }
0x5: {  	s19 =	simm.s32 $0x1400;
	s20 =	simm.s32 $0x1C00;
	s21 =	simm.s32 $0x2400  }
0x6: {  	s28 =	simm.s32 $0x4C00;
	s10 =	simm.s32 $0x7400;
	s12 =	simm.s32 $0x8C00  }
0x7: {  	s29 =	simm.s32 $0x9400;
	s31 =	simm.s32 $0x9C00;
	s30 =	simm.s32 $0xC400  }
0x8: {  	s14 =	simm.s32 $0x1;
	s15 =	simm.s32 $0x3;
	s16 =	simm.s32 $0x2  }
0x9: {  	s17 =	simm.s32 $0x4;
	s18 =	simm.s32 $0x0;
	s5 =	sand.u32 $0x1, s3  }
0xa: {  	s3 =	simm.s32 $0x0;
	s4 =	sshll.u32 s4, $0xB;
	s25 =	sadd.s32 $0x1800, s2  }
0xb: {  	s6 =	sshll.u32 s5, $0xA;
	[smem:$0x7FF] =	sst s3;
	s5 =	ssub.s32 $0x2, s5  }
0xc: {  	s4 =	sor.u32 s6, s4;
	_ =	strace $0x80000047;
	[dreg:$0x4] =	wrdreg s25  }
0xd: {  	s7 =	sshrl.u32 s5, $0x1;
	s25 =	simm.s32 $0x3C00;
	[dreg:$0xa] =	wrdreg s18  }
0xe: {  	s6 =	sshrl.u32 s4, $0x3;
	[dreg:$0x9] =	wrdreg s4;
	s8 =	sor.u32 $0x80, s4  }
0xf: {  	s5 =	ssub.s32 s5, s7;
	s7 =	sadd.s32 $0x100, s1;
	s4 =	simm.s32 $0x8400  }
0x10: {  	s0 =	sadd.s32 s6, s0;
	s9 =	smul.u32 $0x300, s6;
	s23 =	sshrl.u32 s8, $0x3  }
0x11: {  	s8 =	sadd.s32 $0x200, s1;
	s5 =	smax.u32 s5, $0x1;
	s6 =	simm.s32 $0x6400  }
0x12: {  	s0 =	sadd.s32 $0x400, s0;
	s24 =	smul.u32 $0x300, s23;
	[dreg:$0x7] =	wrdreg s5  }
0x13: {  	s23 =	simm.s32 $0x2C00;
	s5 =	simm.s32 $0x7C00;
	[dreg:$0x6] =	wrdreg s0  }
0x14: {  	v2 =	vlaneseq.u32;
	[dreg:$0x5] =	wrdreg s9;
	s26 =	sadd.s32 s2, s9;
	s0 =	simm.s32 $0x5400  }
0x15: {  	vm0 =	vmmov $0xffff;
	v1 =	vshrl.u32 v2, $0x3;
	s9 =	simm.s32 $0x6C00;
	[dreg:$0x8] =	wrdreg s26;
	s11 =	sadd.s32 s24, s2  }
0x16: {  	v0 =	vand.u32 $0x7, v2;
	v2 =	vor.u32 $0x8, v2;
	v1 =	vmul.u32 $0x8, v1;
	s24 =	simm.s32 $0x3400;
	s26 =	simm.s32 $0x4400;
	s2 =	simm.s32 $0x5C00  }
.LBB2_1:
0x17: {  	s18 =	rddreg [dreg:$0x6]  }
0x18: {  	[tilespmem:s3], [sflag:$0x5] =	stream.linear.gather [hbm4b:s18+s3], $0x400, $0x38;
	[tilespmem:$0x18400] =	vst v63  }
0x19: {  	s18 =	simm.s32 $0x5  }
0x1a: {  	_ =	swait.ge [sflag:s18], $0x400  }
0x1b: {  	[sflag:s18] =	ssyncset.done $0x0  }
0x1c: {  	[sflag:s18] =	ssyncadd.s32 $0xFFFFFC00  }
0x1d: {  	v3 =	vld [tilespmem:$0x0];
	_ =	sdelay $0x4  }
0x1e: {  	v4 =	vshrl.u32 v3, $0x3  }
0x1f: {  	v4 =	vmul.u32 $0x30, v4  }
0x20: {  	v3 =	vand.u32 $0x7, v3  }
0x21: {  	v3 =	vor.u32 v3, v4  }
0x22: {  	v4 =	vperm.xlane v3, v0;
	_ =	sdelay $0x1  }
0x23: {  	v4 =	vadd.s32 v1, v4;
	_ =	sdelay $0x3  }
0x24: {  	v3 =	vperm.xlane v3, v2  }
0x25: {  	[tilespmem:s13], [sflag:$0x1] =	stream.indirect_vreg.gather [hbm4b:s1+s3], $0x80, v4, vm0, $0xb8;
	[tilespmem:$0x18400] =	vst v63  }
0x26: {  	v3 =	vadd.s32 v1, v3  }
0x27: {  	[tilespmem:s22], [sflag:$0x1] =	stream.indirect_vreg.gather [hbm4b:s7+s3], $0x80, v4, vm0, $0xb8;
	[tilespmem:$0x18400] =	vst v63  }
0x28: {  	_ = 	snop  }
0x29: {  	[tilespmem:s19], [sflag:$0x1] =	stream.indirect_vreg.gather [hbm4b:s8+s3], $0x80, v4, vm0, $0xb8;
	[tilespmem:$0x18400] =	vst v63  }
0x2a: {  	_ = 	snop  }
0x2b: {  	[tilespmem:s20], [sflag:$0x1] =	stream.indirect_vreg.gather [hbm4b:s1+s3], $0x80, v3, vm0, $0xb8;
	[tilespmem:$0x18400] =	vst v63  }
0x2c: {  	_ = 	snop  }
0x2d: {  	[tilespmem:s21], [sflag:$0x1] =	stream.indirect_vreg.gather [hbm4b:s7+s3], $0x80, v3, vm0, $0xb8;
	[tilespmem:$0x18400] =	vst v63  }
0x2e: {  	_ = 	snop  }
0x2f: {  	[tilespmem:s23], [sflag:$0x1] =	stream.indirect_vreg.gather [hbm4b:s8+s3], $0x80, v3, vm0, $0xb8;
	[tilespmem:$0x18400] =	vst v63  }
0x30: {  	v3 =	vld [tilespmem:$0x10];
	_ =	sdelay $0x4  }
0x31: {  	v57 =	vshrl.u32 v3, $0x3  }
0x32: {  	v4 =	vmul.u32 $0x30, v57  }
0x33: {  	v3 =	vand.u32 $0x7, v3  }
0x34: {  	v3 =	vor.u32 v3, v4  }
0x35: {  	v4 =	vperm.xlane v3, v0;
	_ =	sdelay $0x1  }
0x36: {  	v4 =	vadd.s32 v1, v4;
	_ =	sdelay $0x3  }
0x37: {  	v3 =	vperm.xlane v3, v2  }
0x38: {  	[tilespmem:s24], [sflag:$0x1] =	stream.indirect_vreg.gather [hbm4b:s1+s3], $0x80, v4, vm0, $0xb8;
	[tilespmem:$0x18400] =	vst v63  }
0x39: {  	v3 =	vadd.s32 v1, v3  }
0x3a: {  	[tilespmem:s25], [sflag:$0x1] =	stream.indirect_vreg.gather [hbm4b:s7+s3], $0x80, v4, vm0, $0xb8;
	[tilespmem:$0x18400] =	vst v63  }
0x3b: {  	_ = 	snop  }
0x3c: {  	[tilespmem:s26], [sflag:$0x1] =	stream.indirect_vreg.gather [hbm4b:s8+s3], $0x80, v4, vm0, $0xb8;
	[tilespmem:$0x18400] =	vst v63  }
0x3d: {  	_ = 	snop  }
0x3e: {  	[tilespmem:s28], [sflag:$0x1] =	stream.indirect_vreg.gather [hbm4b:s1+s3], $0x80, v3, vm0, $0xb8;
	[tilespmem:$0x18400] =	vst v63  }
0x3f: {  	_ = 	snop  }
0x40: {  	[tilespmem:s0], [sflag:$0x1] =	stream.indirect_vreg.gather [hbm4b:s7+s3], $0x80, v3, vm0, $0xb8;
	[tilespmem:$0x18400] =	vst v63  }
0x41: {  	_ = 	snop  }
0x42: {  	[tilespmem:s2], [sflag:$0x1] =	stream.indirect_vreg.gather [hbm4b:s8+s3], $0x80, v3, vm0, $0xb8;
	[tilespmem:$0x18400] =	vst v63  }
0x43: {  	v3 =	vld [tilespmem:$0x20];
	_ =	sdelay $0x4  }
0x44: {  	v58 =	vshrl.u32 v3, $0x3  }
0x45: {  	v4 =	vmul.u32 $0x30, v58  }
0x46: {  	v3 =	vand.u32 $0x7, v3  }
0x47: {  	v3 =	vor.u32 v3, v4  }
0x48: {  	v4 =	vperm.xlane v3, v0;
	_ =	sdelay $0x1  }
0x49: {  	v4 =	vadd.s32 v1, v4;
	_ =	sdelay $0x3  }
0x4a: {  	v3 =	vperm.xlane v3, v2  }
0x4b: {  	[tilespmem:s6], [sflag:$0x1] =	stream.indirect_vreg.gather [hbm4b:s1+s3], $0x80, v4, vm0, $0xb8;
	[tilespmem:$0x18400] =	vst v63  }
0x4c: {  	v3 =	vadd.s32 v1, v3  }
0x4d: {  	[tilespmem:s9], [sflag:$0x1] =	stream.indirect_vreg.gather [hbm4b:s7+s3], $0x80, v4, vm0, $0xb8;
	[tilespmem:$0x18400] =	vst v63  }
0x4e: {  	_ = 	snop  }
0x4f: {  	[tilespmem:s10], [sflag:$0x1] =	stream.indirect_vreg.gather [hbm4b:s8+s3], $0x80, v4, vm0, $0xb8;
	[tilespmem:$0x18400] =	vst v63  }
0x50: {  	_ = 	snop  }
0x51: {  	[tilespmem:s5], [sflag:$0x1] =	stream.indirect_vreg.gather [hbm4b:s1+s3], $0x80, v3, vm0, $0xb8;
	[tilespmem:$0x18400] =	vst v63  }
0x52: {  	_ = 	snop  }
0x53: {  	[tilespmem:s4], [sflag:$0x1] =	stream.indirect_vreg.gather [hbm4b:s7+s3], $0x80, v3, vm0, $0xb8;
	[tilespmem:$0x18400] =	vst v63  }
0x54: {  	_ = 	snop  }
0x55: {  	[tilespmem:s12], [sflag:$0x1] =	stream.indirect_vreg.gather [hbm4b:s8+s3], $0x80, v3, vm0, $0xb8;
	[tilespmem:$0x18400] =	vst v63  }
0x56: {  	v3 =	vld [tilespmem:$0x30];
	_ =	sdelay $0x4  }
0x57: {  	v59 =	vshrl.u32 v3, $0x3  }
0x58: {  	v4 =	vmul.u32 $0x30, v59  }
0x59: {  	v3 =	vand.u32 $0x7, v3  }
0x5a: {  	v3 =	vor.u32 v3, v4  }
0x5b: {  	v4 =	vperm.xlane v3, v0;
	_ =	sdelay $0x1  }
0x5c: {  	v4 =	vadd.s32 v1, v4;
	_ =	sdelay $0x3  }
0x5d: {  	v3 =	vperm.xlane v3, v2  }
0x5e: {  	[tilespmem:s29], [sflag:$0x1] =	stream.indirect_vreg.gather [hbm4b:s1+s3], $0x80, v4, vm0, $0xb8;
	[tilespmem:$0x18400] =	vst v63  }
0x5f: {  	v3 =	vadd.s32 v1, v3  }
0x60: {  	[tilespmem:s31], [sflag:$0x1] =	stream.indirect_vreg.gather [hbm4b:s7+s3], $0x80, v4, vm0, $0xb8;
	[tilespmem:$0x18400] =	vst v63  }
0x61: {  	s12 =	simm.s32 $0xA400  }
0x62: {  	[tilespmem:s12], [sflag:$0x1] =	stream.indirect_vreg.gather [hbm4b:s8+s3], $0x80, v4, vm0, $0xb8;
	[tilespmem:$0x18400] =	vst v63  }
0x63: {  	s18 =	simm.s32 $0xAC00  }
0x64: {  	[tilespmem:s18], [sflag:$0x1] =	stream.indirect_vreg.gather [hbm4b:s1+s3], $0x80, v3, vm0, $0xb8;
	[tilespmem:$0x18400] =	vst v63  }
0x65: {  	s19 =	simm.s32 $0xB400  }
0x66: {  	[tilespmem:s19], [sflag:$0x1] =	stream.indirect_vreg.gather [hbm4b:s7+s3], $0x80, v3, vm0, $0xb8;
	[tilespmem:$0x18400] =	vst v63  }
0x67: {  	s20 =	simm.s32 $0xBC00  }
0x68: {  	[tilespmem:s20], [sflag:$0x1] =	stream.indirect_vreg.gather [hbm4b:s8+s3], $0x80, v3, vm0, $0xb8;
	[tilespmem:$0x18400] =	vst v63  }
0x69: {  	v3 =	vld [tilespmem:$0x40];
	_ =	sdelay $0x4  }
0x6a: {  	v60 =	vshrl.u32 v3, $0x3  }
0x6b: {  	v4 =	vmul.u32 $0x30, v60  }
0x6c: {  	v3 =	vand.u32 $0x7, v3  }
0x6d: {  	v3 =	vor.u32 v3, v4  }
0x6e: {  	v4 =	vperm.xlane v3, v0;
	_ =	sdelay $0x1  }
0x6f: {  	v4 =	vadd.s32 v1, v4;
	_ =	sdelay $0x3  }
0x70: {  	v3 =	vperm.xlane v3, v2  }
0x71: {  	[tilespmem:s30], [sflag:$0x2] =	stream.indirect_vreg.gather [hbm4b:s1+s3], $0x80, v4, vm0, $0xb8;
	[tilespmem:$0x18400] =	vst v63  }
0x72: {  	s21 =	simm.s32 $0xCC00;
	v3 =	vadd.s32 v1, v3  }
0x73: {  	[tilespmem:s21], [sflag:$0x2] =	stream.indirect_vreg.gather [hbm4b:s7+s3], $0x80, v4, vm0, $0xb8;
	[tilespmem:$0x18400] =	vst v63  }
0x74: {  	s23 =	simm.s32 $0xD400  }
0x75: {  	[tilespmem:s23], [sflag:$0x2] =	stream.indirect_vreg.gather [hbm4b:s8+s3], $0x80, v4, vm0, $0xb8;
	[tilespmem:$0x18400] =	vst v63  }
0x76: {  	s24 =	simm.s32 $0xDC00  }
0x77: {  	[tilespmem:s24], [sflag:$0x2] =	stream.indirect_vreg.gather [hbm4b:s1+s3], $0x80, v3, vm0, $0xb8;
	[tilespmem:$0x18400] =	vst v63  }
0x78: {  	s25 =	simm.s32 $0xE400  }
0x79: {  	[tilespmem:s25], [sflag:$0x2] =	stream.indirect_vreg.gather [hbm4b:s7+s3], $0x80, v3, vm0, $0xb8;
	[tilespmem:$0x18400] =	vst v63  }
0x7a: {  	s26 =	simm.s32 $0xEC00  }
0x7b: {  	[tilespmem:s26], [sflag:$0x2] =	stream.indirect_vreg.gather [hbm4b:s8+s3], $0x80, v3, vm0, $0xb8;
	[tilespmem:$0x18400] =	vst v63  }
0x7c: {  	v3 =	vld [tilespmem:$0x50];
	_ =	sdelay $0x4  }
0x7d: {  	v61 =	vshrl.u32 v3, $0x3  }
0x7e: {  	v4 =	vmul.u32 $0x30, v61  }
0x7f: {  	v3 =	vand.u32 $0x7, v3  }
0x80: {  	v3 =	vor.u32 v3, v4  }
0x81: {  	v4 =	vperm.xlane v3, v0;
	_ =	sdelay $0x1  }
0x82: {  	v4 =	vadd.s32 v1, v4;
	_ =	sdelay $0x3  }
0x83: {  	s29 =	simm.s32 $0xF400;
	v3 =	vperm.xlane v3, v2  }
0x84: {  	[tilespmem:s29], [sflag:$0x2] =	stream.indirect_vreg.gather [hbm4b:s1+s3], $0x80, v4, vm0, $0xb8;
	[tilespmem:$0x18400] =	vst v63  }
0x85: {  	s30 =	simm.s32 $0xFC00;
	v3 =	vadd.s32 v1, v3  }
0x86: {  	[tilespmem:s30], [sflag:$0x2] =	stream.indirect_vreg.gather [hbm4b:s7+s3], $0x80, v4, vm0, $0xb8;
	[tilespmem:$0x18400] =	vst v63  }
0x87: {  	s2 =	simm.s32 $0x10400  }
0x88: {  	[tilespmem:s2], [sflag:$0x2] =	stream.indirect_vreg.gather [hbm4b:s8+s3], $0x80, v4, vm0, $0xb8;
	[tilespmem:$0x18400] =	vst v63  }
0x89: {  	s4 =	simm.s32 $0x10C00  }
0x8a: {  	[tilespmem:s4], [sflag:$0x2] =	stream.indirect_vreg.gather [hbm4b:s1+s3], $0x80, v3, vm0, $0xb8;
	[tilespmem:$0x18400] =	vst v63  }
0x8b: {  	s5 =	simm.s32 $0x11400  }
0x8c: {  	[tilespmem:s5], [sflag:$0x2] =	stream.indirect_vreg.gather [hbm4b:s7+s3], $0x80, v3, vm0, $0xb8;
	[tilespmem:$0x18400] =	vst v63  }
0x8d: {  	s6 =	simm.s32 $0x11C00  }
0x8e: {  	[tilespmem:s6], [sflag:$0x2] =	stream.indirect_vreg.gather [hbm4b:s8+s3], $0x80, v3, vm0, $0xb8;
	[tilespmem:$0x18400] =	vst v63  }
0x8f: {  	v3 =	vld [tilespmem:$0x60];
	_ =	sdelay $0x4  }
0x90: {  	v62 =	vshrl.u32 v3, $0x3  }
0x91: {  	v4 =	vmul.u32 $0x30, v62  }
0x92: {  	v3 =	vand.u32 $0x7, v3  }
0x93: {  	v3 =	vor.u32 v3, v4  }
0x94: {  	v4 =	vperm.xlane v3, v0;
	_ =	sdelay $0x1  }
0x95: {  	v4 =	vadd.s32 v1, v4;
	_ =	sdelay $0x3  }
0x96: {  	s9 =	simm.s32 $0x12400;
	v3 =	vperm.xlane v3, v2  }
0x97: {  	[tilespmem:s9], [sflag:$0x2] =	stream.indirect_vreg.gather [hbm4b:s1+s3], $0x80, v4, vm0, $0xb8;
	[tilespmem:$0x18400] =	vst v63  }
0x98: {  	s10 =	simm.s32 $0x12C00;
	v3 =	vadd.s32 v1, v3  }
0x99: {  	[tilespmem:s10], [sflag:$0x2] =	stream.indirect_vreg.gather [hbm4b:s7+s3], $0x80, v4, vm0, $0xb8;
	[tilespmem:$0x18400] =	vst v63  }
0x9a: {  	s12 =	simm.s32 $0x13400  }
0x9b: {  	[tilespmem:s12], [sflag:$0x2] =	stream.indirect_vreg.gather [hbm4b:s8+s3], $0x80, v4, vm0, $0xb8;
	[tilespmem:$0x18400] =	vst v63  }
0x9c: {  	s18 =	simm.s32 $0x13C00  }
0x9d: {  	[tilespmem:s18], [sflag:$0x2] =	stream.indirect_vreg.gather [hbm4b:s1+s3], $0x80, v3, vm0, $0xb8;
	[tilespmem:$0x18400] =	vst v63  }
0x9e: {  	s19 =	simm.s32 $0x14400  }
0x9f: {  	[tilespmem:s19], [sflag:$0x2] =	stream.indirect_vreg.gather [hbm4b:s7+s3], $0x80, v3, vm0, $0xb8;
	[tilespmem:$0x18400] =	vst v63  }
0xa0: {  	s20 =	simm.s32 $0x14C00  }
0xa1: {  	[tilespmem:s20], [sflag:$0x2] =	stream.indirect_vreg.gather [hbm4b:s8+s3], $0x80, v3, vm0, $0xb8;
	[tilespmem:$0x18400] =	vst v63  }
0xa2: {  	v3 =	vld [tilespmem:$0x70];
	_ =	sdelay $0x4  }
0xa3: {  	v63 =	vshrl.u32 v3, $0x3  }
0xa4: {  	v4 =	vmul.u32 $0x30, v63  }
0xa5: {  	v3 =	vand.u32 $0x7, v3  }
0xa6: {  	v3 =	vor.u32 v3, v4  }
0xa7: {  	v4 =	vperm.xlane v3, v0;
	_ =	sdelay $0x1  }
0xa8: {  	v4 =	vadd.s32 v1, v4;
	_ =	sdelay $0x3  }
0xa9: {  	s28 =	simm.s32 $0x3400;
	s0 =	simm.s32 $0x5400;
	s21 =	simm.s32 $0x15400;
	v3 =	vperm.xlane v3, v2  }
0xaa: {  	[tilespmem:s21], [sflag:$0x2] =	stream.indirect_vreg.gather [hbm4b:s1+s3], $0x80, v4, vm0, $0xb8;
	[tilespmem:$0x18400] =	vst v63  }
0xab: {  	s31 =	simm.s32 $0x4C00;
	s23 =	simm.s32 $0x15C00;
	s24 =	simm.s32 $0x16400;
	v3 =	vadd.s32 v1, v3  }
0xac: {  	[tilespmem:s23], [sflag:$0x2] =	stream.indirect_vreg.gather [hbm4b:s7+s3], $0x80, v4, vm0, $0xb8;
	[tilespmem:$0x18400] =	vst v63  }
0xad: {  	s25 =	simm.s32 $0x16C00;
	s26 =	simm.s32 $0x17400;
	s29 =	simm.s32 $0x17C00  }
0xae: {  	[tilespmem:s24], [sflag:$0x2] =	stream.indirect_vreg.gather [hbm4b:s8+s3], $0x80, v4, vm0, $0xb8;
	[tilespmem:$0x18400] =	vst v63  }
0xaf: {  	s2 =	simm.s32 $0x5C00;
	s4 =	simm.s32 $0x8400;
	s5 =	simm.s32 $0x7C00  }
0xb0: {  	[tilespmem:s25], [sflag:$0x2] =	stream.indirect_vreg.gather [hbm4b:s1+s3], $0x80, v3, vm0, $0xb8;
	[tilespmem:$0x18400] =	vst v63  }
0xb1: {  	s6 =	simm.s32 $0x6400;
	s9 =	simm.s32 $0x6C00;
	s10 =	simm.s32 $0x7400  }
0xb2: {  	[tilespmem:s26], [sflag:$0x2] =	stream.indirect_vreg.gather [hbm4b:s7+s3], $0x80, v3, vm0, $0xb8;
	[tilespmem:$0x18400] =	vst v63  }
0xb3: {  	s12 =	simm.s32 $0x400;
	s18 =	simm.s32 $0x0;
	s19 =	simm.s32 $0xF0  }
0xb4: {  	[tilespmem:s29], [sflag:$0x2] =	stream.indirect_vreg.gather [hbm4b:s8+s3], $0x80, v3, vm0, $0xb8;
	[tilespmem:$0x18400] =	vst v63  }
0xb5: {  	s20 =	simm.s32 $0x0;
	s23 =	simm.s32 $0x9400;
	_ =	swait.ge [sflag:s14], $0xC000  }
0xb6: {  	s24 =	simm.s32 $0x1C00;
	[sflag:s14] =	ssyncset.done $0x0;
	s30 =	rddreg [dreg:$0x8]  }
0xb7: {  	s25 =	simm.s32 $0x2400;
	s21 =	rddreg [dreg:$0x5];
	[sflag:s14] =	ssyncadd.s32 $0xFFFF4000  }
0xb8: {  	[hbm4b:s30+s3] =	stream.linear.scatter [tilespmem:s13], [sflag:$0x3], $0xC000, $0x38;
	[tilespmem:$0x18400] =	vst v63  }
0xb9: {  	s26 =	simm.s32 $0x8C00;
	s13 =	smov.u32 s11;
	s11 =	rddreg [dreg:$0x9]  }
.LBB2_2:
0xba: {  	_ =	swait.ge [sflag:s15], $0xC000  }
0xbb: {  	[sflag:s15] =	ssyncset.done $0x0  }
0xbc: {  	[sflag:s15] =	ssyncadd.s32 $0xFFFF4000  }
0xbd: {  	v3 =	vld [tilespmem:s19+$0xFFFFFF90];
	_ =	sdelay $0x4  }
0xbe: {  	v4 =	vshrl.u32 v3, $0x3  }
0xbf: {  	v4 =	vmul.u32 $0x30, v4  }
0xc0: {  	v3 =	vand.u32 $0x7, v3  }
0xc1: {  	v3 =	vor.u32 v3, v4  }
0xc2: {  	v4 =	vperm.xlane v3, v0;
	_ =	sdelay $0x1  }
0xc3: {  	v4 =	vadd.s32 v1, v4;
	_ =	sdelay $0x3  }
0xc4: {  	v3 =	vperm.xlane v3, v2  }
0xc5: {  	[tilespmem:s12], [sflag:$0x1] =	stream.indirect_vreg.gather [hbm4b:s1+s3], $0x80, v4, vm0, $0xb8;
	[tilespmem:$0x18400] =	vst v63  }
0xc6: {  	v3 =	vadd.s32 v1, v3  }
0xc7: {  	[tilespmem:s22], [sflag:$0x1] =	stream.indirect_vreg.gather [hbm4b:s7+s3], $0x80, v4, vm0, $0xb8;
	[tilespmem:$0x18400] =	vst v63  }
0xc8: {  	s29 =	simm.s32 $0x1400  }
0xc9: {  	[tilespmem:s29], [sflag:$0x1] =	stream.indirect_vreg.gather [hbm4b:s8+s3], $0x80, v4, vm0, $0xb8;
	[tilespmem:$0x18400] =	vst v63  }
0xca: {  	_ = 	snop  }
0xcb: {  	[tilespmem:s24], [sflag:$0x1] =	stream.indirect_vreg.gather [hbm4b:s1+s3], $0x80, v3, vm0, $0xb8;
	[tilespmem:$0x18400] =	vst v63  }
0xcc: {  	_ = 	snop  }
0xcd: {  	[tilespmem:s25], [sflag:$0x1] =	stream.indirect_vreg.gather [hbm4b:s7+s3], $0x80, v3, vm0, $0xb8;
	[tilespmem:$0x18400] =	vst v63  }
0xce: {  	s29 =	simm.s32 $0x2C00  }
0xcf: {  	[tilespmem:s29], [sflag:$0x1] =	stream.indirect_vreg.gather [hbm4b:s8+s3], $0x80, v3, vm0, $0xb8;
	[tilespmem:$0x18400] =	vst v63  }
0xd0: {  	v3 =	vld [tilespmem:s19+$0xFFFFFFA0];
	_ =	sdelay $0x4  }
0xd1: {  	v57 =	vshrl.u32 v3, $0x3  }
0xd2: {  	v4 =	vmul.u32 $0x30, v57  }
0xd3: {  	v3 =	vand.u32 $0x7, v3  }
0xd4: {  	v3 =	vor.u32 v3, v4  }
0xd5: {  	v4 =	vperm.xlane v3, v0;
	_ =	sdelay $0x1  }
0xd6: {  	v4 =	vadd.s32 v1, v4;
	_ =	sdelay $0x3  }
0xd7: {  	v3 =	vperm.xlane v3, v2  }
0xd8: {  	[tilespmem:s28], [sflag:$0x1] =	stream.indirect_vreg.gather [hbm4b:s1+s3], $0x80, v4, vm0, $0xb8;
	[tilespmem:$0x18400] =	vst v63  }
0xd9: {  	s29 =	simm.s32 $0x3C00;
	v3 =	vadd.s32 v1, v3  }
0xda: {  	[tilespmem:s29], [sflag:$0x1] =	stream.indirect_vreg.gather [hbm4b:s7+s3], $0x80, v4, vm0, $0xb8;
	[tilespmem:$0x18400] =	vst v63  }
0xdb: {  	s29 =	simm.s32 $0x4400  }
0xdc: {  	[tilespmem:s29], [sflag:$0x1] =	stream.indirect_vreg.gather [hbm4b:s8+s3], $0x80, v4, vm0, $0xb8;
	[tilespmem:$0x18400] =	vst v63  }
0xdd: {  	_ = 	snop  }
0xde: {  	[tilespmem:s31], [sflag:$0x1] =	stream.indirect_vreg.gather [hbm4b:s1+s3], $0x80, v3, vm0, $0xb8;
	[tilespmem:$0x18400] =	vst v63  }
0xdf: {  	_ = 	snop  }
0xe0: {  	[tilespmem:s0], [sflag:$0x1] =	stream.indirect_vreg.gather [hbm4b:s7+s3], $0x80, v3, vm0, $0xb8;
	[tilespmem:$0x18400] =	vst v63  }
0xe1: {  	_ = 	snop  }
0xe2: {  	[tilespmem:s2], [sflag:$0x1] =	stream.indirect_vreg.gather [hbm4b:s8+s3], $0x80, v3, vm0, $0xb8;
	[tilespmem:$0x18400] =	vst v63  }
0xe3: {  	v3 =	vld [tilespmem:s19+$0xFFFFFFB0];
	_ =	sdelay $0x4  }
0xe4: {  	v58 =	vshrl.u32 v3, $0x3  }
0xe5: {  	v4 =	vmul.u32 $0x30, v58  }
0xe6: {  	v3 =	vand.u32 $0x7, v3  }
0xe7: {  	v3 =	vor.u32 v3, v4  }
0xe8: {  	v4 =	vperm.xlane v3, v0;
	_ =	sdelay $0x1  }
0xe9: {  	v4 =	vadd.s32 v1, v4;
	_ =	sdelay $0x3  }
0xea: {  	v3 =	vperm.xlane v3, v2  }
0xeb: {  	[tilespmem:s6], [sflag:$0x1] =	stream.indirect_vreg.gather [hbm4b:s1+s3], $0x80, v4, vm0, $0xb8;
	[tilespmem:$0x18400] =	vst v63  }
0xec: {  	v3 =	vadd.s32 v1, v3  }
0xed: {  	[tilespmem:s9], [sflag:$0x1] =	stream.indirect_vreg.gather [hbm4b:s7+s3], $0x80, v4, vm0, $0xb8;
	[tilespmem:$0x18400] =	vst v63  }
0xee: {  	_ = 	snop  }
0xef: {  	[tilespmem:s10], [sflag:$0x1] =	stream.indirect_vreg.gather [hbm4b:s8+s3], $0x80, v4, vm0, $0xb8;
	[tilespmem:$0x18400] =	vst v63  }
0xf0: {  	_ = 	snop  }
0xf1: {  	[tilespmem:s5], [sflag:$0x1] =	stream.indirect_vreg.gather [hbm4b:s1+s3], $0x80, v3, vm0, $0xb8;
	[tilespmem:$0x18400] =	vst v63  }
0xf2: {  	_ = 	snop  }
0xf3: {  	[tilespmem:s4], [sflag:$0x1] =	stream.indirect_vreg.gather [hbm4b:s7+s3], $0x80, v3, vm0, $0xb8;
	[tilespmem:$0x18400] =	vst v63  }
0xf4: {  	_ = 	snop  }
0xf5: {  	[tilespmem:s26], [sflag:$0x1] =	stream.indirect_vreg.gather [hbm4b:s8+s3], $0x80, v3, vm0, $0xb8;
	[tilespmem:$0x18400] =	vst v63  }
0xf6: {  	v3 =	vld [tilespmem:s19+$0xFFFFFFC0];
	_ =	sdelay $0x4  }
0xf7: {  	v59 =	vshrl.u32 v3, $0x3  }
0xf8: {  	v4 =	vmul.u32 $0x30, v59  }
0xf9: {  	v3 =	vand.u32 $0x7, v3  }
0xfa: {  	v3 =	vor.u32 v3, v4  }
0xfb: {  	v4 =	vperm.xlane v3, v0;
	_ =	sdelay $0x1  }
0xfc: {  	v4 =	vadd.s32 v1, v4;
	_ =	sdelay $0x3  }
0xfd: {  	v3 =	vperm.xlane v3, v2  }
0xfe: {  	[tilespmem:s23], [sflag:$0x1] =	stream.indirect_vreg.gather [hbm4b:s1+s3], $0x80, v4, vm0, $0xb8;
	[tilespmem:$0x18400] =	vst v63  }
0xff: {  	s29 =	simm.s32 $0x9C00;
	v3 =	vadd.s32 v1, v3  }
0x100: {  	[tilespmem:s29], [sflag:$0x1] =	stream.indirect_vreg.gather [hbm4b:s7+s3], $0x80, v4, vm0, $0xb8;
	[tilespmem:$0x18400] =	vst v63  }
0x101: {  	s29 =	simm.s32 $0xA400  }
0x102: {  	[tilespmem:s29], [sflag:$0x1] =	stream.indirect_vreg.gather [hbm4b:s8+s3], $0x80, v4, vm0, $0xb8;
	[tilespmem:$0x18400] =	vst v63  }
0x103: {  	s29 =	simm.s32 $0xAC00  }
0x104: {  	[tilespmem:s29], [sflag:$0x1] =	stream.indirect_vreg.gather [hbm4b:s1+s3], $0x80, v3, vm0, $0xb8;
	[tilespmem:$0x18400] =	vst v63  }
0x105: {  	s29 =	simm.s32 $0xB400  }
0x106: {  	[tilespmem:s29], [sflag:$0x1] =	stream.indirect_vreg.gather [hbm4b:s7+s3], $0x80, v3, vm0, $0xb8;
	[tilespmem:$0x18400] =	vst v63  }
0x107: {  	s29 =	simm.s32 $0xBC00  }
0x108: {  	[tilespmem:s29], [sflag:$0x1] =	stream.indirect_vreg.gather [hbm4b:s8+s3], $0x80, v3, vm0, $0xb8;
	[tilespmem:$0x18400] =	vst v63  }
0x109: {  	_ =	swait.ge [sflag:s16], $0xC000  }
0x10a: {  	s29 =	rddreg [dreg:$0x4];
	[sflag:s16] =	ssyncset.done $0x0  }
0x10b: {  	s21 =	sadd.s32 s29, s21;
	[sflag:s16] =	ssyncadd.s32 $0xFFFF4000;
	s29 =	simm.s32 $0xC400  }
0x10c: {  	[hbm4b:s21+s3] =	stream.linear.scatter [tilespmem:s29], [sflag:$0x4], $0xC000, $0x38;
	[tilespmem:$0x18400] =	vst v63  }
0x10d: {  	_ =	swait.ge [sflag:s17], $0xC000  }
0x10e: {  	[sflag:s17] =	ssyncset.done $0x0  }
0x10f: {  	[sflag:s17] =	ssyncadd.s32 $0xFFFF4000  }
0x110: {  	v3 =	vld [tilespmem:s19+$0xFFFFFFD0];
	_ =	sdelay $0x4  }
0x111: {  	v60 =	vshrl.u32 v3, $0x3  }
0x112: {  	v4 =	vmul.u32 $0x30, v60  }
0x113: {  	v3 =	vand.u32 $0x7, v3  }
0x114: {  	v3 =	vor.u32 v3, v4  }
0x115: {  	v4 =	vperm.xlane v3, v0;
	_ =	sdelay $0x1  }
0x116: {  	v4 =	vadd.s32 v1, v4;
	_ =	sdelay $0x3  }
0x117: {  	v3 =	vperm.xlane v3, v2  }
0x118: {  	[tilespmem:s29], [sflag:$0x2] =	stream.indirect_vreg.gather [hbm4b:s1+s3], $0x80, v4, vm0, $0xb8;
	[tilespmem:$0x18400] =	vst v63  }
0x119: {  	v3 =	vadd.s32 v1, v3;
	s29 =	simm.s32 $0xCC00  }
0x11a: {  	[tilespmem:s29], [sflag:$0x2] =	stream.indirect_vreg.gather [hbm4b:s7+s3], $0x80, v4, vm0, $0xb8;
	[tilespmem:$0x18400] =	vst v63  }
0x11b: {  	s29 =	simm.s32 $0xD400  }
0x11c: {  	[tilespmem:s29], [sflag:$0x2] =	stream.indirect_vreg.gather [hbm4b:s8+s3], $0x80, v4, vm0, $0xb8;
	[tilespmem:$0x18400] =	vst v63  }
0x11d: {  	s29 =	simm.s32 $0xDC00  }
0x11e: {  	[tilespmem:s29], [sflag:$0x2] =	stream.indirect_vreg.gather [hbm4b:s1+s3], $0x80, v3, vm0, $0xb8;
	[tilespmem:$0x18400] =	vst v63  }
0x11f: {  	s29 =	simm.s32 $0xE400  }
0x120: {  	[tilespmem:s29], [sflag:$0x2] =	stream.indirect_vreg.gather [hbm4b:s7+s3], $0x80, v3, vm0, $0xb8;
	[tilespmem:$0x18400] =	vst v63  }
0x121: {  	s29 =	simm.s32 $0xEC00  }
0x122: {  	[tilespmem:s29], [sflag:$0x2] =	stream.indirect_vreg.gather [hbm4b:s8+s3], $0x80, v3, vm0, $0xb8;
	[tilespmem:$0x18400] =	vst v63  }
0x123: {  	v3 =	vld [tilespmem:s19+$0xFFFFFFE0];
	_ =	sdelay $0x4  }
0x124: {  	v61 =	vshrl.u32 v3, $0x3  }
0x125: {  	v4 =	vmul.u32 $0x30, v61  }
0x126: {  	v3 =	vand.u32 $0x7, v3  }
0x127: {  	v3 =	vor.u32 v3, v4  }
0x128: {  	v4 =	vperm.xlane v3, v0;
	_ =	sdelay $0x1  }
0x129: {  	v4 =	vadd.s32 v1, v4;
	_ =	sdelay $0x3  }
0x12a: {  	s29 =	simm.s32 $0xF400;
	v3 =	vperm.xlane v3, v2  }
0x12b: {  	[tilespmem:s29], [sflag:$0x2] =	stream.indirect_vreg.gather [hbm4b:s1+s3], $0x80, v4, vm0, $0xb8;
	[tilespmem:$0x18400] =	vst v63  }
0x12c: {  	v3 =	vadd.s32 v1, v3;
	s29 =	simm.s32 $0xFC00  }
0x12d: {  	[tilespmem:s29], [sflag:$0x2] =	stream.indirect_vreg.gather [hbm4b:s7+s3], $0x80, v4, vm0, $0xb8;
	[tilespmem:$0x18400] =	vst v63  }
0x12e: {  	s29 =	simm.s32 $0x10400  }
0x12f: {  	[tilespmem:s29], [sflag:$0x2] =	stream.indirect_vreg.gather [hbm4b:s8+s3], $0x80, v4, vm0, $0xb8;
	[tilespmem:$0x18400] =	vst v63  }
0x130: {  	s29 =	simm.s32 $0x10C00  }
0x131: {  	[tilespmem:s29], [sflag:$0x2] =	stream.indirect_vreg.gather [hbm4b:s1+s3], $0x80, v3, vm0, $0xb8;
	[tilespmem:$0x18400] =	vst v63  }
0x132: {  	s29 =	simm.s32 $0x11400  }
0x133: {  	[tilespmem:s29], [sflag:$0x2] =	stream.indirect_vreg.gather [hbm4b:s7+s3], $0x80, v3, vm0, $0xb8;
	[tilespmem:$0x18400] =	vst v63  }
0x134: {  	s29 =	simm.s32 $0x11C00  }
0x135: {  	[tilespmem:s29], [sflag:$0x2] =	stream.indirect_vreg.gather [hbm4b:s8+s3], $0x80, v3, vm0, $0xb8;
	[tilespmem:$0x18400] =	vst v63  }
0x136: {  	v3 =	vld [tilespmem:s19+$0xFFFFFFF0];
	_ =	sdelay $0x4  }
0x137: {  	v62 =	vshrl.u32 v3, $0x3  }
0x138: {  	v4 =	vmul.u32 $0x30, v62  }
0x139: {  	v3 =	vand.u32 $0x7, v3  }
0x13a: {  	v3 =	vor.u32 v3, v4  }
0x13b: {  	v4 =	vperm.xlane v3, v0;
	_ =	sdelay $0x1  }
0x13c: {  	v4 =	vadd.s32 v1, v4;
	_ =	sdelay $0x3  }
0x13d: {  	s29 =	simm.s32 $0x12400;
	v3 =	vperm.xlane v3, v2  }
0x13e: {  	[tilespmem:s29], [sflag:$0x2] =	stream.indirect_vreg.gather [hbm4b:s1+s3], $0x80, v4, vm0, $0xb8;
	[tilespmem:$0x18400] =	vst v63  }
0x13f: {  	v3 =	vadd.s32 v1, v3;
	s29 =	simm.s32 $0x12C00  }
0x140: {  	[tilespmem:s29], [sflag:$0x2] =	stream.indirect_vreg.gather [hbm4b:s7+s3], $0x80, v4, vm0, $0xb8;
	[tilespmem:$0x18400] =	vst v63  }
0x141: {  	s29 =	simm.s32 $0x13400  }
0x142: {  	[tilespmem:s29], [sflag:$0x2] =	stream.indirect_vreg.gather [hbm4b:s8+s3], $0x80, v4, vm0, $0xb8;
	[tilespmem:$0x18400] =	vst v63  }
0x143: {  	s29 =	simm.s32 $0x13C00  }
0x144: {  	[tilespmem:s29], [sflag:$0x2] =	stream.indirect_vreg.gather [hbm4b:s1+s3], $0x80, v3, vm0, $0xb8;
	[tilespmem:$0x18400] =	vst v63  }
0x145: {  	s29 =	simm.s32 $0x14400  }
0x146: {  	[tilespmem:s29], [sflag:$0x2] =	stream.indirect_vreg.gather [hbm4b:s7+s3], $0x80, v3, vm0, $0xb8;
	[tilespmem:$0x18400] =	vst v63  }
0x147: {  	s29 =	simm.s32 $0x14C00  }
0x148: {  	[tilespmem:s29], [sflag:$0x2] =	stream.indirect_vreg.gather [hbm4b:s8+s3], $0x80, v3, vm0, $0xb8;
	[tilespmem:$0x18400] =	vst v63  }
0x149: {  	v3 =	vld [tilespmem:s19+$0x0];
	_ =	sdelay $0x4  }
0x14a: {  	v63 =	vshrl.u32 v3, $0x3  }
0x14b: {  	v4 =	vmul.u32 $0x30, v63  }
0x14c: {  	v3 =	vand.u32 $0x7, v3  }
0x14d: {  	v3 =	vor.u32 v3, v4  }
0x14e: {  	v4 =	vperm.xlane v3, v0;
	_ =	sdelay $0x1  }
0x14f: {  	v4 =	vadd.s32 v1, v4;
	_ =	sdelay $0x3  }
0x150: {  	s29 =	simm.s32 $0x15400;
	v3 =	vperm.xlane v3, v2  }
0x151: {  	[tilespmem:s29], [sflag:$0x2] =	stream.indirect_vreg.gather [hbm4b:s1+s3], $0x80, v4, vm0, $0xb8;
	[tilespmem:$0x18400] =	vst v63  }
0x152: {  	v3 =	vadd.s32 v1, v3;
	s29 =	simm.s32 $0x15C00  }
0x153: {  	[tilespmem:s29], [sflag:$0x2] =	stream.indirect_vreg.gather [hbm4b:s7+s3], $0x80, v4, vm0, $0xb8;
	[tilespmem:$0x18400] =	vst v63  }
0x154: {  	s29 =	simm.s32 $0x16400  }
0x155: {  	[tilespmem:s29], [sflag:$0x2] =	stream.indirect_vreg.gather [hbm4b:s8+s3], $0x80, v4, vm0, $0xb8;
	[tilespmem:$0x18400] =	vst v63  }
0x156: {  	s29 =	simm.s32 $0x16C00  }
0x157: {  	[tilespmem:s29], [sflag:$0x2] =	stream.indirect_vreg.gather [hbm4b:s1+s3], $0x80, v3, vm0, $0xb8;
	[tilespmem:$0x18400] =	vst v63  }
0x158: {  	s29 =	simm.s32 $0x17400  }
0x159: {  	[tilespmem:s29], [sflag:$0x2] =	stream.indirect_vreg.gather [hbm4b:s7+s3], $0x80, v3, vm0, $0xb8;
	[tilespmem:$0x18400] =	vst v63  }
0x15a: {  	s29 =	simm.s32 $0x17C00  }
0x15b: {  	[tilespmem:s29], [sflag:$0x2] =	stream.indirect_vreg.gather [hbm4b:s8+s3], $0x80, v3, vm0, $0xb8;
	[tilespmem:$0x18400] =	vst v63  }
0x15c: {  	_ =	swait.ge [sflag:s14], $0xC000  }
0x15d: {  	s29 =	sadd.s32 s18, s13;
	s18 =	sadd.s32 $0x3000, s18;
	[sflag:s14] =	ssyncset.done $0x0  }
0x15e: {  	p0 =	sne.s32 s18, $0x15000;
	[sflag:s14] =	ssyncadd.s32 $0xFFFF4000  }
0x15f: {  	[hbm4b:s29+s3] =	stream.linear.scatter [tilespmem:s12], [sflag:$0x3], $0xC000, $0x38;
	[tilespmem:$0x18400] =	vst v63  }
.Ltmp0:
0x160: {  	s20 =	sadd.s32 $0x1, s20;
	(pc) =	sbr.rel @p0 .LBB2_2-.Ltmp0, $4  }
0x161: {  	s29 =	sshll.u32 s20, $0x7  }
0x162: {  	s21 =	sor.u32 s11, s29  }
0x163: {  	s30 =	simm.s32 $0xC400;
	s21 =	sshrl.u32 s21, $0x3  }
0x164: {  	s22 =	simm.s32 $0xC00;
	s19 =	sadd.s32 $0x80, s19;
	s21 =	smul.u32 $0x300, s21  }
0x165: {  	_ =	swait.ge [sflag:s16], $0xC000  }
0x166: {  	s18 =	sadd.s32 s18, s13;
	[sflag:s16] =	ssyncset.done $0x0  }
0x167: {  	s18 =	sadd.s32 $0xFFFFE800, s18;
	[sflag:s16] =	ssyncadd.s32 $0xFFFF4000  }
0x168: {  	[hbm4b:s18+s3] =	stream.linear.scatter [tilespmem:s30], [sflag:$0x4], $0xC000, $0x38;
	[tilespmem:$0x18400] =	vst v63  }
0x169: {  	_ =	swait.ge [sflag:s15], $0xC000  }
0x16a: {  	[sflag:s15] =	ssyncset.done $0x0  }
0x16b: {  	s19 =	simm.s32 $0x1400;
	s20 =	simm.s32 $0x1C00;
	[sflag:s15] =	ssyncadd.s32 $0xFFFF4000  }
0x16c: {  	s21 =	simm.s32 $0x2400;
	s23 =	simm.s32 $0x2C00;
	_ =	swait.ge [sflag:s17], $0xC000  }
0x16d: {  	s24 =	simm.s32 $0x3400;
	s25 =	simm.s32 $0x3C00;
	s0 =	rddreg [dreg:$0xa]  }
0x16e: {  	s28 =	simm.s32 $0x4C00;
	s26 =	rddreg [dreg:$0x7];
	s0 =	sadd.s32 $0x1, s0  }
0x16f: {  	s2 =	simm.s32 $0x5C00;
	s6 =	simm.s32 $0x6400;
	p0 =	sne.s32 s0, s26  }
.Ltmp1:
0x170: {  	s9 =	simm.s32 $0x6C00;
	s10 =	simm.s32 $0x7400;
	(pc) =	sbr.rel @p0 .LBB2_1-.Ltmp1, $4  }
0x171: {  	s5 =	simm.s32 $0x7C00;
	s4 =	simm.s32 $0x8400;
	s11 =	smov.u32 s13  }
0x172: {  	s13 =	simm.s32 $0x400;
	s12 =	simm.s32 $0x8C00;
	[sflag:s17] =	ssyncset.done $0x0  }
0x173: {  	s29 =	simm.s32 $0x9400;
	s31 =	simm.s32 $0x9C00;
	[sflag:s17] =	ssyncadd.s32 $0xFFFF4000  }
0x174: {  	[dreg:$0xa] =	wrdreg s0;
	s26 =	simm.s32 $0x4400;
	s0 =	simm.s32 $0x5400  }
0x175: {  	_ =	sfence.sel $0x180000  }
0x176: {  	[bflag:$0x0] =	sbarrier.arrive $0xFFFF  }
0x177: {  	_ =	strace $0x90000047  }
0x178: {  	s0 =	stileid.u32;
	[bflag:$0x2] =	sbarrier.arrive $0xFFFF  }
0x179: {  	p0 =	sne.s32 s0, $0x0;
	s0 =	rddreg [dreg:$0x3]  }
0x17a: {  	s0 =	sadd.s32 @!p0 $0x100000, s0  }
0x17b: {  	[sflag:s0] =	ssyncadd.tile.s32 @!p0 $0x1;
	_ =	shalt  }
.Lfunc_end2:
_tile_overlayer_lowered:
.L_overlay_start_2:
0x17c: {  	(tag) =	ssettag $0x2  }
0x17d: {  	s0 =	rddreg [dreg:$0x0];
	s2 =	stileid.u32  }
0x17e: {  	s1 =	rddreg [dreg:$0x1];
	p0 =	sne.s32 s2, $0x0  }
0x17f: {  	s3 =	rddreg [dreg:$0x2];
	[bflag:$0x3] =	sbarrier.arrive $0xFFFF;
	s2 =	simm.s32 @!p0 $0x1C05  }
0x180: {  	[timem:s3], [sflag:s2] =	dma.local @!p0 [hbm:s0], s1  }
0x181: {  	s0 =	simm.s32 @!p0 $0x5  }
0x182: {  	_ =	swait.ge @!p0 [sflag:s0], s1  }
0x183: {  	s1 =	ssub.s32 @!p0 $0x0, s1;
	[sflag:s0] =	ssyncset.done @!p0 $0x0  }
0x184: {  	[sflag:s0] =	ssyncadd.s32 @!p0 s1  }
0x185: {  	[bflag:$0x3] =	sbarrier.arrive $0xFFFF  }
0x186: {  	_ =	shalt  }

</sc_bundles>
